<compile_context>
chip_gen: v7x
topology: tpu7x:2x2x1
jax: 0.10.2.dev20260603
libtpu: 0.0.44.dev20260713+nightly
codegen_flags: <defaults>
</compile_context>

<pallas_src>
import functools

import jax
import jax.numpy as jnp
from jax import lax
from jax.experimental import pallas as pl
from jax.experimental.pallas import tpu as pltpu
from jax.experimental.pallas import tpu_sc as plsc

B, N, D, H = 8, 512, 768, 2048
TOPK = 180
NKEEP = 506
KPAD = 192
PAD_IDX = 511
NC, NS = 2, 16
ROWS_PER_TILE = B * KPAD // (NC * NS)


def _score_topk_body(xc_ref, score_ref, idx_ref, idxflat_ref, keep_ref, sel_ref):
    x = xc_ref[...]
    norm2 = jnp.sum(x * x, axis=2)
    nrm = jnp.maximum(jnp.sqrt(norm2), 1e-12)
    xn = x / nrm[:, :, None]
    lm = x[:, N - 1, :]
    l2 = jnp.sum(lm * lm, axis=1)
    ln = (lm / jnp.maximum(jnp.sqrt(l2), 1e-12)[:, None])[:, None, :]
    sen_doc = lax.dot_general(
        xn.astype(jnp.bfloat16), ln.astype(jnp.bfloat16),
        (((2,), (2,)), ((0,), (0,))),
        preferred_element_type=jnp.float32)[..., 0]
    sen_doc = jnp.where(sen_doc > 0, sen_doc, 0.0)
    g = lax.dot_general(xn, xn, (((2,), (2,)), ((0,), (0,))),
                        preferred_element_type=jnp.float32)
    sen_sen = jnp.mean(g, axis=-1)
    sen_sen = jnp.where(sen_sen > 0, sen_sen, 1.0)
    score = sen_doc * 0.9 + (1.0 - sen_sen) * 0.1
    score_ref[...] = score

    pos = lax.broadcasted_iota(jnp.int32, (B, N), 1)
    neg_inf = jnp.float32(-jnp.inf)
    work = jnp.where(pos < NKEEP, score, neg_inf)

    s_col = work.reshape(B, N, 1)
    s_row = work.reshape(B, 1, N)
    ic = lax.broadcasted_iota(jnp.int32, (B, N, 1), 1)
    ir = lax.broadcasted_iota(jnp.int32, (B, 1, N), 2)
    beats = (s_col > s_row) | ((s_col == s_row) & (ic < ir))
    rank = jnp.sum(beats.astype(jnp.float32), axis=1)

    selected = rank < float(TOPK)
    sel_ref[...] = selected.astype(jnp.float32)
    keep_ref[...] = (selected | (pos >= NKEEP)).astype(jnp.float32)

    rank_col = rank.reshape(B, N, 1).astype(jnp.int32)
    rcols = lax.broadcasted_iota(jnp.int32, (B, 1, KPAD), 2)
    onehot = ((rank_col == rcols) &
              (rcols < TOPK)).astype(jnp.float32)
    posf = lax.broadcasted_iota(jnp.int32, (B, N, 1), 1).astype(jnp.float32)
    idx_vals = jnp.sum(posf * onehot, axis=1)
    hit = jnp.sum(onehot, axis=1)
    idxv = (idx_vals + (1.0 - hit) * PAD_IDX).astype(jnp.int32)
    idx_ref[...] = idxv
    brow = lax.broadcasted_iota(jnp.int32, (B, KPAD), 0)
    idxflat_ref[...] = idxv + brow * N


def _sc_gather_body(adj_hbm, idx_hbm, out_hbm, idx_v, rows_v, sem):
    wid = lax.axis_index("s") * NC + lax.axis_index("c")
    base = wid * ROWS_PER_TILE
    pltpu.sync_copy(idx_hbm.at[pl.ds(base, ROWS_PER_TILE)], idx_v)
    pltpu.async_copy(adj_hbm.at[idx_v], rows_v, sem).wait()
    pltpu.sync_copy(rows_v, out_hbm.at[pl.ds(base, ROWS_PER_TILE)])


def _gcn_mlp_body(xc_ref, ar_ref, idx_ref, keep_ref, sel_ref,
                  wg_ref, w1_ref, b1_ref, w2_ref, b2_ref, wf_ref, bf_ref,
                  out_ref, xmask_ref):
    f32 = jnp.float32
    X = xc_ref[0]
    A_r = ar_ref[0]
    idxr = idx_ref[0, 0, :]
    keepr = keep_ref[0]
    selr = sel_ref[0]

    idc = idxr.reshape(KPAD, 1)
    colp = lax.broadcasted_iota(jnp.int32, (KPAD, N), 1)
    G = (colp == idc).astype(f32)

    A_rm = A_r * keepr
    P = jnp.dot(A_rm, X, preferred_element_type=f32)
    h = jnp.maximum(jnp.dot(P, wg_ref[...], preferred_element_type=f32), 0.0)
    bb = jnp.bfloat16
    t = jnp.dot(h.astype(bb), w1_ref[...].astype(bb),
                preferred_element_type=f32) + b1_ref[...]
    t = jnp.where(t >= 0, t, 0.01 * t)
    u = jnp.dot(t.astype(bb), w2_ref[...].astype(bb),
                preferred_element_type=f32) + b2_ref[...]
    bf = bf_ref[0, 0]
    oc = jnp.sum(u * wf_ref[...], axis=1) + bf

    z1 = b1_ref[...]
    z1 = jnp.where(z1 >= 0, z1, 0.01 * z1)
    z2 = jnp.dot(z1, w2_ref[...], preferred_element_type=f32) + b2_ref[...]
    zo = jnp.sum(z2 * wf_ref[...]) + bf

    outrow = jnp.dot(oc.reshape(1, KPAD), G, preferred_element_type=f32)
    out_ref[0] = outrow + (1.0 - selr) * zo

    xmask_ref[0] = jnp.broadcast_to(keepr.reshape(N, 1), (N, D))


def kernel(x, x_c, adj, W_g, W1, b1, W2, b2, Wf, bf):
    f32 = jnp.float32
    score, idx, idxflat, keep, sel = pl.pallas_call(
        _score_topk_body,
        out_shape=(
            jax.ShapeDtypeStruct((B, N), f32),
            jax.ShapeDtypeStruct((B, KPAD), jnp.int32),
            jax.ShapeDtypeStruct((B, KPAD), jnp.int32),
            jax.ShapeDtypeStruct((B, N), f32),
            jax.ShapeDtypeStruct((B, N), f32),
        ),
    )(x_c)

    sc_gather = functools.partial(
        pl.kernel,
        mesh=plsc.VectorSubcoreMesh(core_axis_name="c", subcore_axis_name="s"),
        out_type=jax.ShapeDtypeStruct((B * KPAD, N), f32),
        scratch_types=[
            pltpu.VMEM((ROWS_PER_TILE,), jnp.int32),
            pltpu.VMEM((ROWS_PER_TILE, N), f32),
            pltpu.SemaphoreType.DMA,
        ],
    )(_sc_gather_body)
    a_rows = sc_gather(adj.reshape(B * N, N), idxflat.reshape(B * KPAD))
    a_rows = a_rows.reshape(B, KPAD, N)

    idx3 = idx.reshape(B, 1, KPAD)
    keep3 = keep.reshape(B, 1, N)
    sel3 = sel.reshape(B, 1, N)
    b1r = b1.reshape(1, H)
    b2r = b2.reshape(1, D)
    wfr = Wf.reshape(1, D)
    bfr = bf.reshape(1, 1)

    out_full, x_mask = pl.pallas_call(
        _gcn_mlp_body,
        grid=(B,),
        in_specs=[
            pl.BlockSpec((1, N, D), lambda b: (b, 0, 0)),
            pl.BlockSpec((1, KPAD, N), lambda b: (b, 0, 0)),
            pl.BlockSpec((1, 1, KPAD), lambda b: (b, 0, 0)),
            pl.BlockSpec((1, 1, N), lambda b: (b, 0, 0)),
            pl.BlockSpec((1, 1, N), lambda b: (b, 0, 0)),
            pl.BlockSpec((D, D), lambda b: (0, 0)),
            pl.BlockSpec((D, H), lambda b: (0, 0)),
            pl.BlockSpec((1, H), lambda b: (0, 0)),
            pl.BlockSpec((H, D), lambda b: (0, 0)),
            pl.BlockSpec((1, D), lambda b: (0, 0)),
            pl.BlockSpec((1, D), lambda b: (0, 0)),
            pl.BlockSpec((1, 1), lambda b: (0, 0)),
        ],
        out_specs=(
            pl.BlockSpec((1, 1, N), lambda b: (b, 0, 0)),
            pl.BlockSpec((1, N, D), lambda b: (b, 0, 0)),
        ),
        out_shape=(
            jax.ShapeDtypeStruct((B, 1, N), f32),
            jax.ShapeDtypeStruct((B, N, D), f32),
        ),
    )(x_c, a_rows, idx3, keep3, sel3, W_g, W1, b1r, W2, b2r, wfr, bfr)

    out = out_full[:, 0, :NKEEP, None]
    selected_idx = idx[:, :TOPK]
    score_leaf = score[:, :NKEEP, None]
    return out, selected_idx, score_leaf, x_mask

# --- scband reference (transcript-rebuilt; emitter-appended) ---
"""Pipeline reference for scband-end2-end-encoder-63367947485700 (READ-ONLY COPY).

The authoritative reference and input builder live on the scoring server;
editing this copy changes nothing except your own understanding.
"""

import jax, jax.numpy as jnp
import numpy as np

B, N, D, H = 8, 512, 768, 2048
TOPK = 180


def _normalize(v):
    return v / jnp.clip(jnp.linalg.norm(v, axis=-1, keepdims=True), 1e-12)


def setup_inputs(seed: int = 0):
    key = jax.random.key(seed)
    ks = jax.random.split(key, 10)
    x = jax.random.normal(ks[0], (B, N, D), dtype=jnp.float32)
    x_c = jax.random.normal(ks[1], (B, N, D), dtype=jnp.float32)
    adj = jax.random.uniform(ks[2], (B, N, N), dtype=jnp.float32)
    W_g = jax.random.normal(ks[3], (D, D), dtype=jnp.float32) * 0.02
    W1 = jax.random.normal(ks[4], (D, H), dtype=jnp.float32) * 0.02
    b1 = jnp.zeros((H,), dtype=jnp.float32)
    W2 = jax.random.normal(ks[5], (H, D), dtype=jnp.float32) * 0.02
    b2 = jnp.zeros((D,), dtype=jnp.float32)
    Wf = jax.random.normal(ks[6], (D, 1), dtype=jnp.float32) * 0.02
    bf = jnp.zeros((1,), dtype=jnp.float32)
    return {"x": x, "x_c": x_c, "adj": adj, "W_g": W_g, "W1": W1, "b1": b1, "W2": W2, "b2": b2, "Wf": Wf, "bf": bf}


def sort_module(x, adj):
    # landmark = doc node embedding (last position)
    landmark = x[:, -1, :][:, None, :]
    xn = _normalize(x)
    ln = _normalize(landmark)
    sen_doc = jnp.matmul(xn, jnp.transpose(ln, (0, 2, 1)))[..., 0]  # [B, N]
    sen_doc = jnp.where(sen_doc > 0, sen_doc, 0.0)
    sen_sen = jnp.mean(jnp.matmul(xn, jnp.transpose(xn, (0, 2, 1))), axis=-1)  # [B, N]
    sen_sen = jnp.where(sen_sen > 0, sen_sen, 1.0)
    score = sen_doc * 0.9 + (1.0 - sen_sen) * 0.1
    score = score[:, :-6]  # drop the 6 section/doc nodes
    # top-180 by score (argsort descending, take first 180)
    idx = jnp.argsort(-score, axis=-1)[:, :TOPK]  # [B, TOPK]
    pos = jnp.arange(N)
    keep = (pos[None, :, None] == idx[:, None, :]).any(axis=-1)  # [B, N], membership test
    keep_full = keep | (pos[None, :] >= N - 6)  # last 6 nodes always kept
    x_mask = keep_full[:, :, None].astype(jnp.float32) * jnp.ones((B, N, D), jnp.float32)
    adj_mask = (keep_full[:, :, None] & keep_full[:, None, :]).astype(jnp.float32)
    return x, x_mask, adj_mask, idx, score[..., None]


def reference(x, x_c, adj, W_g, W1, b1, W2, b2, Wf, bf):
    xf, x_mask, adj_mask, selected_idx, score = sort_module(x_c, adj)
    xm = x_c * x_mask
    adjm = adj * adj_mask
    # graph_encoder: single-layer dense GCN  relu(A X W)
    h = jax.nn.relu(jnp.matmul(jnp.matmul(adjm, xm), W_g))
    h = h[:, :-6, :]
    # out_proj_layer_mlp: 2-layer MLP with LeakyReLU (dropout inactive at inference)
    h = jax.nn.leaky_relu(jnp.matmul(h, W1) + b1, 0.01)
    h = jnp.matmul(h, W2) + b2
    out = jnp.matmul(h, Wf) + bf  # final_layer
    return out, selected_idx, score, x_mask

if __name__ == "__main__":
    import jax
    _d = setup_inputs()
    print(jax.jit(kernel)(*tuple(_d.values())))

</pallas_src>

<mosaic_0001>
#map = affine_map<(d0, d1) -> (0, 0)>
#map1 = affine_map<(d0, d1) -> (0)>
module attributes {stable_mosaic.version = 14 : i64} {
  func.func @_sc_gather_body(%arg0: i32, %arg1: i32, %arg2: memref<4096x512xf32, #tpu.memory_space<hbm>>, %arg3: memref<1536xi32, #tpu.memory_space<hbm>>, %arg4: memref<1536x512xf32, #tpu.memory_space<hbm>>, %arg5: memref<48xi32, #tpu.memory_space<vmem>>, %arg6: memref<48x512xf32, #tpu.memory_space<vmem>>, %arg7: memref<!tpu.dma_semaphore, #tpu.memory_space<semaphore_mem>>) attributes {dimension_semantics = [#tpu.dimension_semantics<core_parallel>, #tpu.dimension_semantics<subcore_parallel>], iteration_bounds = array<i64: 2, 16>, scalar_prefetch = 0 : i64, scratch_operands = 3 : i64, tpu.core_type = #tpu.core_type<sc_vector_subcore>, window_params = [{transform_indices = #map}, {transform_indices = #map1}, {transform_indices = #map}]} {
    %mul3A = arith.constant 2 : i32
    %mul3A_0 = arith.muli %arg1, %mul3A : i32
    %add3A = arith.addi %mul3A_0, %arg0 : i32
    %mul3A_1 = arith.constant 48 : i32
    %mul3A_2 = arith.muli %add3A, %mul3A_1 : i32
    "tpu.region"() ({
      %run_scoped3A = tpu.sem_alloc : memref<!tpu.dma_semaphore, #tpu.memory_space<semaphore_mem>>
      %dma_start3A_7 = tpu.memref_slice %arg3[%mul3A_2] : memref<1536xi32, #tpu.memory_space<hbm>> -> memref<48xi32, #tpu.memory_space<hbm>>
      %dma_start3A_8 = tpu.memref_slice %arg3[%mul3A_2] : memref<1536xi32, #tpu.memory_space<hbm>> -> memref<48xi32, #tpu.memory_space<hbm>>
      tpu.enqueue_dma source(%dma_start3A_8 : memref<48xi32, #tpu.memory_space<hbm>>) target(%arg5 : memref<48xi32, #tpu.memory_space<vmem>>) target_semaphore(%run_scoped3A : memref<!tpu.dma_semaphore, #tpu.memory_space<semaphore_mem>>)
      %dma_wait3A_9 = tpu.memref_slice %arg3[%mul3A_2] : memref<1536xi32, #tpu.memory_space<hbm>> -> memref<48xi32, #tpu.memory_space<hbm>>
      %dma_wait3A_10 = tpu.memref_slice %arg3[%mul3A_2] : memref<1536xi32, #tpu.memory_space<hbm>> -> memref<48xi32, #tpu.memory_space<hbm>>
      tpu.wait_dma2 semaphore(%run_scoped3A : memref<!tpu.dma_semaphore, #tpu.memory_space<semaphore_mem>>) src(%dma_wait3A_10 : memref<48xi32, #tpu.memory_space<hbm>>) dst(%arg5 : memref<48xi32, #tpu.memory_space<vmem>>)
      tpu.yield
    }) : () -> ()
    %dma_start3A = arith.constant 0 : i32
    %dma_start3A_3 = arith.constant 0 : i32
    %dma_start3A_4 = tpu.memref_slice %arg2[%dma_start3A, %dma_start3A_3] : memref<4096x512xf32, #tpu.memory_space<hbm>> -> memref<4096x512xf32, #tpu.memory_space<hbm>>
    tpu.enqueue_indirect_dma source(%dma_start3A_4 : memref<4096x512xf32, #tpu.memory_space<hbm>>) target(%arg6 : memref<48x512xf32, #tpu.memory_space<vmem>>) offsets(%arg5 : memref<48xi32, #tpu.memory_space<vmem>>) semaphore(%arg7 : memref<!tpu.dma_semaphore, #tpu.memory_space<semaphore_mem>>)
    %dma_wait3A = arith.constant 0 : i32
    %dma_wait3A_5 = arith.constant 0 : i32
    %dma_wait3A_6 = tpu.memref_slice %arg2[%dma_wait3A, %dma_wait3A_5] : memref<4096x512xf32, #tpu.memory_space<hbm>> -> memref<4096x512xf32, #tpu.memory_space<hbm>>
    tpu.wait_indirect_dma semaphore(%arg7 : memref<!tpu.dma_semaphore, #tpu.memory_space<semaphore_mem>>) src(%dma_wait3A_6 : memref<4096x512xf32, #tpu.memory_space<hbm>>) dst(%arg6 : memref<48x512xf32, #tpu.memory_space<vmem>>)
    "tpu.region"() ({
      %run_scoped3A = tpu.sem_alloc : memref<!tpu.dma_semaphore, #tpu.memory_space<semaphore_mem>>
      %dma_start3A_7 = arith.constant 0 : i32
      %dma_start3A_8 = tpu.memref_slice %arg4[%mul3A_2, %dma_start3A_7] : memref<1536x512xf32, #tpu.memory_space<hbm>> -> memref<48x512xf32, #tpu.memory_space<hbm>>
      %dma_start3A_9 = arith.constant 0 : i32
      %dma_start3A_10 = tpu.memref_slice %arg4[%mul3A_2, %dma_start3A_9] : memref<1536x512xf32, #tpu.memory_space<hbm>> -> memref<48x512xf32, #tpu.memory_space<hbm>>
      tpu.enqueue_dma source(%arg6 : memref<48x512xf32, #tpu.memory_space<vmem>>) target(%dma_start3A_10 : memref<48x512xf32, #tpu.memory_space<hbm>>) target_semaphore(%run_scoped3A : memref<!tpu.dma_semaphore, #tpu.memory_space<semaphore_mem>>)
      %dma_wait3A_11 = arith.constant 0 : i32
      %dma_wait3A_12 = tpu.memref_slice %arg4[%mul3A_2, %dma_wait3A_11] : memref<1536x512xf32, #tpu.memory_space<hbm>> -> memref<48x512xf32, #tpu.memory_space<hbm>>
      %dma_wait3A_13 = arith.constant 0 : i32
      %dma_wait3A_14 = tpu.memref_slice %arg4[%mul3A_2, %dma_wait3A_13] : memref<1536x512xf32, #tpu.memory_space<hbm>> -> memref<48x512xf32, #tpu.memory_space<hbm>>
      tpu.wait_dma2 semaphore(%run_scoped3A : memref<!tpu.dma_semaphore, #tpu.memory_space<semaphore_mem>>) src(%arg6 : memref<48x512xf32, #tpu.memory_space<vmem>>) dst(%dma_wait3A_14 : memref<48x512xf32, #tpu.memory_space<hbm>>)
      tpu.yield
    }) : () -> ()
    return
  }
}

module attributes {stable_mosaic.version = 14 : i64} {
  func.func @_score_topk_body(%arg0: memref<8x512x768xf32, #tpu.memory_space<vmem>>, %arg1: memref<8x512xf32, #tpu.memory_space<vmem>>, %arg2: memref<8x192xi32, #tpu.memory_space<vmem>>, %arg3: memref<8x192xi32, #tpu.memory_space<vmem>>, %arg4: memref<8x512xf32, #tpu.memory_space<vmem>>, %arg5: memref<8x512xf32, #tpu.memory_space<vmem>>) attributes {dimension_semantics = [], scalar_prefetch = 0 : i64, scratch_operands = 0 : i64, tpu.core_type = #tpu.core_type<tc>} {
    %get3A = arith.constant 0 : index
    %get3A_0 = arith.constant 0 : index
    %get3A_1 = arith.constant 0 : index
    %get3A_2 = vector.load %arg0[%get3A, %get3A_0, %get3A_1] : memref<8x512x768xf32, #tpu.memory_space<vmem>>, vector<8x512x768xf32>
    %mul3A = arith.mulf %get3A_2, %get3A_2 : vector<8x512x768xf32>
    %reduce_sum3A = arith.constant dense<0.000000e+00> : vector<8x512xf32>
    %reduce_sum3A_3 = vector.multi_reduction <add>, %mul3A, %reduce_sum3A [2] : vector<8x512x768xf32> to vector<8x512xf32>
    %sqrt3A = math.sqrt %reduce_sum3A_3 : vector<8x512xf32>
    %max3A = arith.constant 9.99999996E-13 : f32
    %max3A_4 = vector.broadcast %max3A : f32 to vector<8x512xf32>
    %max3A_5 = arith.maximumf %sqrt3A, %max3A_4 : vector<8x512xf32>
    %broadcast_in_dim3A = vector.shape_cast %max3A_5 : vector<8x512xf32> to vector<8x512x1xf32>
    %div3A = vector.broadcast %broadcast_in_dim3A : vector<8x512x1xf32> to vector<8x512x768xf32>
    %div3A_6 = arith.divf %get3A_2, %div3A : vector<8x512x768xf32>
    %slice3A = vector.extract_strided_slice %get3A_2 {offsets = [0, 511, 0], sizes = [8, 1, 768], strides = [1, 1, 1]} : vector<8x512x768xf32> to vector<8x1x768xf32>
    %squeeze3A = vector.shape_cast %slice3A : vector<8x1x768xf32> to vector<8x768xf32>
    %mul3A_7 = arith.mulf %squeeze3A, %squeeze3A : vector<8x768xf32>
    %reduce_sum3A_8 = arith.constant dense<0.000000e+00> : vector<8xf32>
    %reduce_sum3A_9 = vector.multi_reduction <add>, %mul3A_7, %reduce_sum3A_8 [1] : vector<8x768xf32> to vector<8xf32>
    %sqrt3A_10 = math.sqrt %reduce_sum3A_9 : vector<8xf32>
    %max3A_11 = arith.constant 9.99999996E-13 : f32
    %max3A_12 = vector.broadcast %max3A_11 : f32 to vector<8xf32>
    %max3A_13 = arith.maximumf %sqrt3A_10, %max3A_12 : vector<8xf32>
    %broadcast_in_dim3A_14 = vector.shape_cast %max3A_13 : vector<8xf32> to vector<8x1xf32>
    %div3A_15 = vector.broadcast %broadcast_in_dim3A_14 : vector<8x1xf32> to vector<8x768xf32>
    %div3A_16 = arith.divf %squeeze3A, %div3A_15 : vector<8x768xf32>
    %broadcast_in_dim3A_17 = vector.shape_cast %div3A_16 : vector<8x768xf32> to vector<8x1x768xf32>
    %convert_element_type3A = arith.truncf %div3A_6 : vector<8x512x768xf32> to vector<8x512x768xbf16>
    %convert_element_type3A_18 = arith.truncf %broadcast_in_dim3A_17 : vector<8x1x768xf32> to vector<8x1x768xbf16>
    %dot_general3A = arith.constant dense<0.000000e+00> : vector<8x512x1xf32>
    %dot_general3A_19 = tpu.matmul %convert_element_type3A, %convert_element_type3A_18, %dot_general3A {dimension_numbers = #tpu.dot_dimension_numbers<[2], [2], [1], [1], [0, 0, 0, 1, 1, 1], [0], [0]>, transpose_lhs_hint = false} : vector<8x512x768xbf16>, vector<8x1x768xbf16>, vector<8x512x1xf32> -> vector<8x512x1xf32>
    %squeeze3A_20 = vector.shape_cast %dot_general3A_19 : vector<8x512x1xf32> to vector<8x512xf32>
    %gt3A = arith.constant 0.000000e+00 : f32
    %gt3A_21 = vector.broadcast %gt3A : f32 to vector<8x512xf32>
    %gt3A_22 = arith.cmpf ogt, %squeeze3A_20, %gt3A_21 : vector<8x512xf32>
    %jit3A = arith.constant 0.000000e+00 : f32
    %broadcast_in_dim3A_23 = vector.broadcast %jit3A : f32 to vector<8x512xf32>
    %select_n3A = arith.select %gt3A_22, %squeeze3A_20, %broadcast_in_dim3A_23 : vector<8x512xi1>, vector<8x512xf32>
    %dot_general3A_24 = arith.constant dense<0.000000e+00> : vector<8x512x512xf32>
    %dot_general3A_25 = tpu.matmul %div3A_6, %div3A_6, %dot_general3A_24 {dimension_numbers = #tpu.dot_dimension_numbers<[2], [2], [1], [1], [0, 0, 0, 1, 1, 1], [0], [0]>, transpose_lhs_hint = false} : vector<8x512x768xf32>, vector<8x512x768xf32>, vector<8x512x512xf32> -> vector<8x512x512xf32>
    %reduce_sum3A_26 = arith.constant dense<0.000000e+00> : vector<8x512xf32>
    %reduce_sum3A_27 = vector.multi_reduction <add>, %dot_general3A_25, %reduce_sum3A_26 [2] : vector<8x512x512xf32> to vector<8x512xf32>
    %div3A_28 = arith.constant 5.120000e+02 : f32
    %div3A_29 = vector.broadcast %div3A_28 : f32 to vector<8x512xf32>
    %div3A_30 = arith.divf %reduce_sum3A_27, %div3A_29 : vector<8x512xf32>
    %gt3A_31 = arith.constant 0.000000e+00 : f32
    %gt3A_32 = vector.broadcast %gt3A_31 : f32 to vector<8x512xf32>
    %gt3A_33 = arith.cmpf ogt, %div3A_30, %gt3A_32 : vector<8x512xf32>
    %jit3A_34 = arith.constant 1.000000e+00 : f32
    %broadcast_in_dim3A_35 = vector.broadcast %jit3A_34 : f32 to vector<8x512xf32>
    %select_n3A_36 = arith.select %gt3A_33, %div3A_30, %broadcast_in_dim3A_35 : vector<8x512xi1>, vector<8x512xf32>
    %mul3A_37 = arith.constant 0.899999976 : f32
    %mul3A_38 = vector.broadcast %mul3A_37 : f32 to vector<8x512xf32>
    %mul3A_39 = arith.mulf %select_n3A, %mul3A_38 : vector<8x512xf32>
    %sub3A = arith.constant 1.000000e+00 : f32
    %sub3A_40 = vector.broadcast %sub3A : f32 to vector<8x512xf32>
    %sub3A_41 = arith.subf %sub3A_40, %select_n3A_36 : vector<8x512xf32>
    %mul3A_42 = arith.constant 1.000000e-01 : f32
    %mul3A_43 = vector.broadcast %mul3A_42 : f32 to vector<8x512xf32>
    %mul3A_44 = arith.mulf %sub3A_41, %mul3A_43 : vector<8x512xf32>
    %add3A = arith.addf %mul3A_39, %mul3A_44 : vector<8x512xf32>
    %swap3A = arith.constant 0 : index
    %swap3A_45 = arith.constant 0 : index
    %swap3A_46 = vector.load %arg1[%swap3A, %swap3A_45] : memref<8x512xf32, #tpu.memory_space<vmem>>, vector<8x512xf32>
    tpu.vector_store %arg1[%swap3A, %swap3A_45], %add3A {strides = array<i32>} : memref<8x512xf32, #tpu.memory_space<vmem>>, vector<8x512xf32>,
    %iota3A = tpu.iota {dimensions = array<i32: 1>} : vector<8x512xi32>
    %lt3A = arith.constant 506 : i32
    %lt3A_47 = vector.broadcast %lt3A : i32 to vector<8x512xi32>
    %lt3A_48 = arith.cmpi slt, %iota3A, %lt3A_47 : vector<8x512xi32>
    %jit3A_49 = arith.constant 0xFF800000 : f32
    %broadcast_in_dim3A_50 = vector.broadcast %jit3A_49 : f32 to vector<8x512xf32>
    %select_n3A_51 = arith.select %lt3A_48, %add3A, %broadcast_in_dim3A_50 : vector<8x512xi1>, vector<8x512xf32>
    %reshape3A = vector.shape_cast %select_n3A_51 : vector<8x512xf32> to vector<8x512x1xf32>
    %reshape3A_52 = vector.shape_cast %select_n3A_51 : vector<8x512xf32> to vector<8x1x512xf32>
    %iota3A_53 = tpu.iota {dimensions = array<i32: 1>} : vector<8x512x1xi32>
    %iota3A_54 = tpu.iota {dimensions = array<i32: 2>} : vector<8x1x512xi32>
    %gt3A_55 = vector.broadcast %reshape3A : vector<8x512x1xf32> to vector<8x512x512xf32>
    %gt3A_56 = vector.broadcast %reshape3A_52 : vector<8x1x512xf32> to vector<8x512x512xf32>
    %gt3A_57 = arith.cmpf ogt, %gt3A_55, %gt3A_56 : vector<8x512x512xf32>
    %eq3A = vector.broadcast %reshape3A : vector<8x512x1xf32> to vector<8x512x512xf32>
    %eq3A_58 = vector.broadcast %reshape3A_52 : vector<8x1x512xf32> to vector<8x512x512xf32>
    %eq3A_59 = arith.cmpf oeq, %eq3A, %eq3A_58 : vector<8x512x512xf32>
    %lt3A_60 = vector.broadcast %iota3A_53 : vector<8x512x1xi32> to vector<8x512x512xi32>
    %lt3A_61 = vector.broadcast %iota3A_54 : vector<8x1x512xi32> to vector<8x512x512xi32>
    %lt3A_62 = arith.cmpi slt, %lt3A_60, %lt3A_61 : vector<8x512x512xi32>
    %and3A = arith.andi %eq3A_59, %lt3A_62 : vector<8x512x512xi1>
    %or3A = arith.ori %gt3A_57, %and3A : vector<8x512x512xi1>
    %convert_element_type3A_63 = arith.extui %or3A : vector<8x512x512xi1> to vector<8x512x512xi32>
    %convert_element_type3A_64 = arith.sitofp %convert_element_type3A_63 : vector<8x512x512xi32> to vector<8x512x512xf32>
    %reduce_sum3A_65 = arith.constant dense<0.000000e+00> : vector<8x512xf32>
    %reduce_sum3A_66 = vector.multi_reduction <add>, %convert_element_type3A_64, %reduce_sum3A_65 [1] : vector<8x512x512xf32> to vector<8x512xf32>
    %lt3A_67 = arith.constant 1.800000e+02 : f32
    %lt3A_68 = vector.broadcast %lt3A_67 : f32 to vector<8x512xf32>
    %lt3A_69 = arith.cmpf olt, %reduce_sum3A_66, %lt3A_68 : vector<8x512xf32>
    %convert_element_type3A_70 = arith.extui %lt3A_69 : vector<8x512xi1> to vector<8x512xi32>
    %convert_element_type3A_71 = arith.sitofp %convert_element_type3A_70 : vector<8x512xi32> to vector<8x512xf32>
    %swap3A_72 = arith.constant 0 : index
    %swap3A_73 = arith.constant 0 : index
    %swap3A_74 = vector.load %arg5[%swap3A_72, %swap3A_73] : memref<8x512xf32, #tpu.memory_space<vmem>>, vector<8x512xf32>
    tpu.vector_store %arg5[%swap3A_72, %swap3A_73], %convert_element_type3A_71 {strides = array<i32>} : memref<8x512xf32, #tpu.memory_space<vmem>>, vector<8x512xf32>,
    %ge3A = arith.constant 506 : i32
    %ge3A_75 = vector.broadcast %ge3A : i32 to vector<8x512xi32>
    %ge3A_76 = arith.cmpi sge, %iota3A, %ge3A_75 : vector<8x512xi32>
    %or3A_77 = arith.ori %lt3A_69, %ge3A_76 : vector<8x512xi1>
    %convert_element_type3A_78 = arith.extui %or3A_77 : vector<8x512xi1> to vector<8x512xi32>
    %convert_element_type3A_79 = arith.sitofp %convert_element_type3A_78 : vector<8x512xi32> to vector<8x512xf32>
    %swap3A_80 = arith.constant 0 : index
    %swap3A_81 = arith.constant 0 : index
    %swap3A_82 = vector.load %arg4[%swap3A_80, %swap3A_81] : memref<8x512xf32, #tpu.memory_space<vmem>>, vector<8x512xf32>
    tpu.vector_store %arg4[%swap3A_80, %swap3A_81], %convert_element_type3A_79 {strides = array<i32>} : memref<8x512xf32, #tpu.memory_space<vmem>>, vector<8x512xf32>,
    %reshape3A_83 = vector.shape_cast %reduce_sum3A_66 : vector<8x512xf32> to vector<8x512x1xf32>
    %convert_element_type3A_84 = arith.fptosi %reshape3A_83 : vector<8x512x1xf32> to vector<8x512x1xi32>
    %iota3A_85 = tpu.iota {dimensions = array<i32: 2>} : vector<8x1x192xi32>
    %eq3A_86 = vector.broadcast %convert_element_type3A_84 : vector<8x512x1xi32> to vector<8x512x192xi32>
    %eq3A_87 = vector.broadcast %iota3A_85 : vector<8x1x192xi32> to vector<8x512x192xi32>
    %eq3A_88 = arith.cmpi eq, %eq3A_86, %eq3A_87 : vector<8x512x192xi32>
    %lt3A_89 = arith.constant 180 : i32
    %lt3A_90 = vector.broadcast %lt3A_89 : i32 to vector<8x1x192xi32>
    %lt3A_91 = arith.cmpi slt, %iota3A_85, %lt3A_90 : vector<8x1x192xi32>
    %and3A_92 = vector.broadcast %lt3A_91 : vector<8x1x192xi1> to vector<8x512x192xi1>
    %and3A_93 = arith.andi %eq3A_88, %and3A_92 : vector<8x512x192xi1>
    %convert_element_type3A_94 = arith.extui %and3A_93 : vector<8x512x192xi1> to vector<8x512x192xi32>
    %convert_element_type3A_95 = arith.sitofp %convert_element_type3A_94 : vector<8x512x192xi32> to vector<8x512x192xf32>
    %iota3A_96 = tpu.iota {dimensions = array<i32: 1>} : vector<8x512x1xi32>
    %convert_element_type3A_97 = arith.sitofp %iota3A_96 : vector<8x512x1xi32> to vector<8x512x1xf32>
    %mul3A_98 = vector.broadcast %convert_element_type3A_97 : vector<8x512x1xf32> to vector<8x512x192xf32>
    %mul3A_99 = arith.mulf %mul3A_98, %convert_element_type3A_95 : vector<8x512x192xf32>
    %reduce_sum3A_100 = arith.constant dense<0.000000e+00> : vector<8x192xf32>
    %reduce_sum3A_101 = vector.multi_reduction <add>, %mul3A_99, %reduce_sum3A_100 [1] : vector<8x512x192xf32> to vector<8x192xf32>
    %reduce_sum3A_102 = arith.constant dense<0.000000e+00> : vector<8x192xf32>
    %reduce_sum3A_103 = vector.multi_reduction <add>, %convert_element_type3A_95, %reduce_sum3A_102 [1] : vector<8x512x192xf32> to vector<8x192xf32>
    %sub3A_104 = arith.constant 1.000000e+00 : f32
    %sub3A_105 = vector.broadcast %sub3A_104 : f32 to vector<8x192xf32>
    %sub3A_106 = arith.subf %sub3A_105, %reduce_sum3A_103 : vector<8x192xf32>
    %mul3A_107 = arith.constant 5.110000e+02 : f32
    %mul3A_108 = vector.broadcast %mul3A_107 : f32 to vector<8x192xf32>
    %mul3A_109 = arith.mulf %sub3A_106, %mul3A_108 : vector<8x192xf32>
    %add3A_110 = arith.addf %reduce_sum3A_101, %mul3A_109 : vector<8x192xf32>
    %convert_element_type3A_111 = arith.fptosi %add3A_110 : vector<8x192xf32> to vector<8x192xi32>
    %swap3A_112 = arith.constant 0 : index
    %swap3A_113 = arith.constant 0 : index
    %swap3A_114 = vector.load %arg2[%swap3A_112, %swap3A_113] : memref<8x192xi32, #tpu.memory_space<vmem>>, vector<8x192xi32>
    tpu.vector_store %arg2[%swap3A_112, %swap3A_113], %convert_element_type3A_111 {strides = array<i32>} : memref<8x192xi32, #tpu.memory_space<vmem>>, vector<8x192xi32>,
    %iota3A_115 = tpu.iota {dimensions = array<i32: 0>} : vector<8x192xi32>
    %mul3A_116 = arith.constant 512 : i32
    %mul3A_117 = vector.broadcast %mul3A_116 : i32 to vector<8x192xi32>
    %mul3A_118 = arith.muli %iota3A_115, %mul3A_117 : vector<8x192xi32>
    %add3A_119 = arith.addi %convert_element_type3A_111, %mul3A_118 : vector<8x192xi32>
    %swap3A_120 = arith.constant 0 : index
    %swap3A_121 = arith.constant 0 : index
    %swap3A_122 = vector.load %arg3[%swap3A_120, %swap3A_121] : memref<8x192xi32, #tpu.memory_space<vmem>>, vector<8x192xi32>
    tpu.vector_store %arg3[%swap3A_120, %swap3A_121], %add3A_119 {strides = array<i32>} : memref<8x192xi32, #tpu.memory_space<vmem>>, vector<8x192xi32>,
    return
  }
}

module attributes {stable_mosaic.version = 14 : i64} {
  func.func @_gcn_mlp_body(%arg0: i32, %arg1: memref<1x512x768xf32, #tpu.memory_space<vmem>>, %arg2: memref<1x192x512xf32, #tpu.memory_space<vmem>>, %arg3: memref<1x1x192xi32, #tpu.memory_space<vmem>>, %arg4: memref<1x1x512xf32, #tpu.memory_space<vmem>>, %arg5: memref<1x1x512xf32, #tpu.memory_space<vmem>>, %arg6: memref<768x768xf32, #tpu.memory_space<vmem>>, %arg7: memref<768x2048xf32, #tpu.memory_space<vmem>>, %arg8: memref<1x2048xf32, #tpu.memory_space<vmem>>, %arg9: memref<2048x768xf32, #tpu.memory_space<vmem>>, %arg10: memref<1x768xf32, #tpu.memory_space<vmem>>, %arg11: memref<1x768xf32, #tpu.memory_space<vmem>>, %arg12: memref<1x1xf32, #tpu.memory_space<vmem>>, %arg13: memref<1x1x512xf32, #tpu.memory_space<vmem>>, %arg14: memref<1x512x768xf32, #tpu.memory_space<vmem>>) attributes {dimension_semantics = [#tpu.dimension_semantics<arbitrary>], iteration_bounds = array<i64: 8>, scalar_prefetch = 0 : i64, scratch_operands = 0 : i64, tpu.core_type = #tpu.core_type<tc>, window_params = [{transform_indices = @transform_0, window_bounds = array<i64: 1, 512, 768>}, {transform_indices = @transform_1, window_bounds = array<i64: 1, 192, 512>}, {transform_indices = @transform_2, window_bounds = array<i64: 1, 1, 192>}, {transform_indices = @transform_3, window_bounds = array<i64: 1, 1, 512>}, {transform_indices = @transform_4, window_bounds = array<i64: 1, 1, 512>}, {pipeline_mode = #tpu.pipeline_mode<synchronous>, transform_indices = @transform_5, window_bounds = array<i64: 768, 768>}, {pipeline_mode = #tpu.pipeline_mode<synchronous>, transform_indices = @transform_6, window_bounds = array<i64: 768, 2048>}, {pipeline_mode = #tpu.pipeline_mode<synchronous>, transform_indices = @transform_7, window_bounds = array<i64: 1, 2048>}, {pipeline_mode = #tpu.pipeline_mode<synchronous>, transform_indices = @transform_8, window_bounds = array<i64: 2048, 768>}, {pipeline_mode = #tpu.pipeline_mode<synchronous>, transform_indices = @transform_9, window_bounds = array<i64: 1, 768>}, {pipeline_mode = #tpu.pipeline_mode<synchronous>, transform_indices = @transform_10, window_bounds = array<i64: 1, 768>}, {pipeline_mode = #tpu.pipeline_mode<synchronous>, transform_indices = @transform_11, window_bounds = array<i64: 1, 1>}, {transform_indices = @transform_12, window_bounds = array<i64: 1, 1, 512>}, {transform_indices = @transform_13, window_bounds = array<i64: 1, 512, 768>}]} {
    %get3A = arith.constant 0 : index
    %get3A_0 = arith.constant 0 : index
    %get3A_1 = arith.constant 0 : index
    %get3A_2 = vector.load %arg1[%get3A, %get3A_0, %get3A_1] : memref<1x512x768xf32, #tpu.memory_space<vmem>>, vector<1x512x768xf32>
    %get3A_3 = vector.shape_cast %get3A_2 : vector<1x512x768xf32> to vector<512x768xf32>
    %get3A_4 = arith.constant 0 : index
    %get3A_5 = arith.constant 0 : index
    %get3A_6 = arith.constant 0 : index
    %get3A_7 = vector.load %arg2[%get3A_4, %get3A_5, %get3A_6] : memref<1x192x512xf32, #tpu.memory_space<vmem>>, vector<1x192x512xf32>
    %get3A_8 = vector.shape_cast %get3A_7 : vector<1x192x512xf32> to vector<192x512xf32>
    %get3A_9 = arith.constant 0 : index
    %get3A_10 = arith.constant 0 : index
    %get3A_11 = arith.constant 0 : index
    %get3A_12 = vector.load %arg3[%get3A_9, %get3A_10, %get3A_11] : memref<1x1x192xi32, #tpu.memory_space<vmem>>, vector<1x1x192xi32>
    %get3A_13 = vector.shape_cast %get3A_12 : vector<1x1x192xi32> to vector<192xi32>
    %get3A_14 = arith.constant 0 : index
    %get3A_15 = arith.constant 0 : index
    %get3A_16 = arith.constant 0 : index
    %get3A_17 = vector.load %arg4[%get3A_14, %get3A_15, %get3A_16] : memref<1x1x512xf32, #tpu.memory_space<vmem>>, vector<1x1x512xf32>
    %get3A_18 = vector.shape_cast %get3A_17 : vector<1x1x512xf32> to vector<1x512xf32>
    %get3A_19 = arith.constant 0 : index
    %get3A_20 = arith.constant 0 : index
    %get3A_21 = arith.constant 0 : index
    %get3A_22 = vector.load %arg5[%get3A_19, %get3A_20, %get3A_21] : memref<1x1x512xf32, #tpu.memory_space<vmem>>, vector<1x1x512xf32>
    %get3A_23 = vector.shape_cast %get3A_22 : vector<1x1x512xf32> to vector<1x512xf32>
    %reshape3A = vector.shape_cast %get3A_13 : vector<192xi32> to vector<192x1xi32>
    %iota3A = tpu.iota {dimensions = array<i32: 1>} : vector<192x512xi32>
    %eq3A = vector.broadcast %reshape3A : vector<192x1xi32> to vector<192x512xi32>
    %eq3A_24 = arith.cmpi eq, %iota3A, %eq3A : vector<192x512xi32>
    %convert_element_type3A = arith.extui %eq3A_24 : vector<192x512xi1> to vector<192x512xi32>
    %convert_element_type3A_25 = arith.sitofp %convert_element_type3A : vector<192x512xi32> to vector<192x512xf32>
    %mul3A = vector.broadcast %get3A_18 : vector<1x512xf32> to vector<192x512xf32>
    %mul3A_26 = arith.mulf %get3A_8, %mul3A : vector<192x512xf32>
    %dot_general3A = arith.constant dense<0.000000e+00> : vector<192x768xf32>
    %dot_general3A_27 = tpu.matmul %mul3A_26, %get3A_3, %dot_general3A {dimension_numbers = #tpu.dot_dimension_numbers<[1], [0], [0], [1], [0, 0, 1, 1], [], []>, transpose_lhs_hint = false} : vector<192x512xf32>, vector<512x768xf32>, vector<192x768xf32> -> vector<192x768xf32>
    %get3A_28 = arith.constant 0 : index
    %get3A_29 = arith.constant 0 : index
    %get3A_30 = vector.load %arg6[%get3A_28, %get3A_29] : memref<768x768xf32, #tpu.memory_space<vmem>>, vector<768x768xf32>
    %dot_general3A_31 = arith.constant dense<0.000000e+00> : vector<192x768xf32>
    %dot_general3A_32 = tpu.matmul %dot_general3A_27, %get3A_30, %dot_general3A_31 {dimension_numbers = #tpu.dot_dimension_numbers<[1], [0], [0], [1], [0, 0, 1, 1], [], []>, transpose_lhs_hint = false} : vector<192x768xf32>, vector<768x768xf32>, vector<192x768xf32> -> vector<192x768xf32>
    %max3A = arith.constant 0.000000e+00 : f32
    %max3A_33 = vector.broadcast %max3A : f32 to vector<192x768xf32>
    %max3A_34 = arith.maximumf %dot_general3A_32, %max3A_33 : vector<192x768xf32>
    %convert_element_type3A_35 = arith.truncf %max3A_34 : vector<192x768xf32> to vector<192x768xbf16>
    %get3A_36 = arith.constant 0 : index
    %get3A_37 = arith.constant 0 : index
    %get3A_38 = vector.load %arg7[%get3A_36, %get3A_37] : memref<768x2048xf32, #tpu.memory_space<vmem>>, vector<768x2048xf32>
    %convert_element_type3A_39 = arith.truncf %get3A_38 : vector<768x2048xf32> to vector<768x2048xbf16>
    %dot_general3A_40 = arith.constant dense<0.000000e+00> : vector<192x2048xf32>
    %dot_general3A_41 = tpu.matmul %convert_element_type3A_35, %convert_element_type3A_39, %dot_general3A_40 {dimension_numbers = #tpu.dot_dimension_numbers<[1], [0], [0], [1], [0, 0, 1, 1], [], []>, transpose_lhs_hint = false} : vector<192x768xbf16>, vector<768x2048xbf16>, vector<192x2048xf32> -> vector<192x2048xf32>
    %get3A_42 = arith.constant 0 : index
    %get3A_43 = arith.constant 0 : index
    %get3A_44 = vector.load %arg8[%get3A_42, %get3A_43] : memref<1x2048xf32, #tpu.memory_space<vmem>>, vector<1x2048xf32>
    %add3A = vector.broadcast %get3A_44 : vector<1x2048xf32> to vector<192x2048xf32>
    %add3A_45 = arith.addf %dot_general3A_41, %add3A : vector<192x2048xf32>
    %ge3A = arith.constant 0.000000e+00 : f32
    %ge3A_46 = vector.broadcast %ge3A : f32 to vector<192x2048xf32>
    %ge3A_47 = arith.cmpf oge, %add3A_45, %ge3A_46 : vector<192x2048xf32>
    %mul3A_48 = arith.constant 0.00999999977 : f32
    %mul3A_49 = vector.broadcast %mul3A_48 : f32 to vector<192x2048xf32>
    %mul3A_50 = arith.mulf %mul3A_49, %add3A_45 : vector<192x2048xf32>
    %select_n3A = arith.select %ge3A_47, %add3A_45, %mul3A_50 : vector<192x2048xi1>, vector<192x2048xf32>
    %convert_element_type3A_51 = arith.truncf %select_n3A : vector<192x2048xf32> to vector<192x2048xbf16>
    %get3A_52 = arith.constant 0 : index
    %get3A_53 = arith.constant 0 : index
    %get3A_54 = vector.load %arg9[%get3A_52, %get3A_53] : memref<2048x768xf32, #tpu.memory_space<vmem>>, vector<2048x768xf32>
    %convert_element_type3A_55 = arith.truncf %get3A_54 : vector<2048x768xf32> to vector<2048x768xbf16>
    %dot_general3A_56 = arith.constant dense<0.000000e+00> : vector<192x768xf32>
    %dot_general3A_57 = tpu.matmul %convert_element_type3A_51, %convert_element_type3A_55, %dot_general3A_56 {dimension_numbers = #tpu.dot_dimension_numbers<[1], [0], [0], [1], [0, 0, 1, 1], [], []>, transpose_lhs_hint = false} : vector<192x2048xbf16>, vector<2048x768xbf16>, vector<192x768xf32> -> vector<192x768xf32>
    %get3A_58 = arith.constant 0 : index
    %get3A_59 = arith.constant 0 : index
    %get3A_60 = vector.load %arg10[%get3A_58, %get3A_59] : memref<1x768xf32, #tpu.memory_space<vmem>>, vector<1x768xf32>
    %add3A_61 = vector.broadcast %get3A_60 : vector<1x768xf32> to vector<192x768xf32>
    %add3A_62 = arith.addf %dot_general3A_57, %add3A_61 : vector<192x768xf32>
    %get3A_63 = arith.constant 0 : index
    %get3A_64 = arith.constant 0 : index
    %get3A_65 = vector.load %arg12[%get3A_63, %get3A_64] : memref<1x1xf32, #tpu.memory_space<vmem>>, vector<1x1xf32>
    %get3A_66 = vector.extract %get3A_65[0, 0] : f32 from vector<1x1xf32>
    %get3A_67 = arith.constant 0 : index
    %get3A_68 = arith.constant 0 : index
    %get3A_69 = vector.load %arg11[%get3A_67, %get3A_68] : memref<1x768xf32, #tpu.memory_space<vmem>>, vector<1x768xf32>
    %mul3A_70 = vector.broadcast %get3A_69 : vector<1x768xf32> to vector<192x768xf32>
    %mul3A_71 = arith.mulf %add3A_62, %mul3A_70 : vector<192x768xf32>
    %reduce_sum3A = arith.constant dense<0.000000e+00> : vector<192xf32>
    %reduce_sum3A_72 = vector.multi_reduction <add>, %mul3A_71, %reduce_sum3A [1] : vector<192x768xf32> to vector<192xf32>
    %add3A_73 = vector.broadcast %get3A_66 : f32 to vector<192xf32>
    %add3A_74 = arith.addf %reduce_sum3A_72, %add3A_73 : vector<192xf32>
    %get3A_75 = arith.constant 0 : index
    %get3A_76 = arith.constant 0 : index
    %get3A_77 = vector.load %arg8[%get3A_75, %get3A_76] : memref<1x2048xf32, #tpu.memory_space<vmem>>, vector<1x2048xf32>
    %ge3A_78 = arith.constant 0.000000e+00 : f32
    %ge3A_79 = vector.broadcast %ge3A_78 : f32 to vector<1x2048xf32>
    %ge3A_80 = arith.cmpf oge, %get3A_77, %ge3A_79 : vector<1x2048xf32>
    %mul3A_81 = arith.constant 0.00999999977 : f32
    %mul3A_82 = vector.broadcast %mul3A_81 : f32 to vector<1x2048xf32>
    %mul3A_83 = arith.mulf %mul3A_82, %get3A_77 : vector<1x2048xf32>
    %select_n3A_84 = arith.select %ge3A_80, %get3A_77, %mul3A_83 : vector<1x2048xi1>, vector<1x2048xf32>
    %get3A_85 = arith.constant 0 : index
    %get3A_86 = arith.constant 0 : index
    %get3A_87 = vector.load %arg9[%get3A_85, %get3A_86] : memref<2048x768xf32, #tpu.memory_space<vmem>>, vector<2048x768xf32>
    %dot_general3A_88 = arith.constant dense<0.000000e+00> : vector<1x768xf32>
    %dot_general3A_89 = tpu.matmul %select_n3A_84, %get3A_87, %dot_general3A_88 {dimension_numbers = #tpu.dot_dimension_numbers<[1], [0], [0], [1], [0, 0, 1, 1], [], []>, transpose_lhs_hint = false} : vector<1x2048xf32>, vector<2048x768xf32>, vector<1x768xf32> -> vector<1x768xf32>
    %get3A_90 = arith.constant 0 : index
    %get3A_91 = arith.constant 0 : index
    %get3A_92 = vector.load %arg10[%get3A_90, %get3A_91] : memref<1x768xf32, #tpu.memory_space<vmem>>, vector<1x768xf32>
    %add3A_93 = arith.addf %dot_general3A_89, %get3A_92 : vector<1x768xf32>
    %get3A_94 = arith.constant 0 : index
    %get3A_95 = arith.constant 0 : index
    %get3A_96 = vector.load %arg11[%get3A_94, %get3A_95] : memref<1x768xf32, #tpu.memory_space<vmem>>, vector<1x768xf32>
    %mul3A_97 = arith.mulf %add3A_93, %get3A_96 : vector<1x768xf32>
    %reduce_sum3A_98 = vector.shape_cast %mul3A_97 : vector<1x768xf32> to vector<1x1x768xf32>
    %reduce_sum3A_99 = arith.constant dense<0.000000e+00> : vector<1xf32>
    %reduce_sum3A_100 = vector.multi_reduction <add>, %reduce_sum3A_98, %reduce_sum3A_99 [1, 2] : vector<1x1x768xf32> to vector<1xf32>
    %reduce_sum3A_101 = vector.shape_cast %reduce_sum3A_100 : vector<1xf32> to vector<1x1x1xf32>
    %reduce_sum3A_102 = vector.extract %reduce_sum3A_101[0, 0, 0] : f32 from vector<1x1x1xf32>
    %add3A_103 = arith.addf %reduce_sum3A_102, %get3A_66 : f32
    %reshape3A_104 = vector.shape_cast %add3A_74 : vector<192xf32> to vector<1x192xf32>
    %dot_general3A_105 = arith.constant dense<0.000000e+00> : vector<1x512xf32>
    %dot_general3A_106 = tpu.matmul %reshape3A_104, %convert_element_type3A_25, %dot_general3A_105 {dimension_numbers = #tpu.dot_dimension_numbers<[1], [0], [0], [1], [0, 0, 1, 1], [], []>, transpose_lhs_hint = false} : vector<1x192xf32>, vector<192x512xf32>, vector<1x512xf32> -> vector<1x512xf32>
    %sub3A = arith.constant 1.000000e+00 : f32
    %sub3A_107 = vector.broadcast %sub3A : f32 to vector<1x512xf32>
    %sub3A_108 = arith.subf %sub3A_107, %get3A_23 : vector<1x512xf32>
    %mul3A_109 = vector.broadcast %add3A_103 : f32 to vector<1x512xf32>
    %mul3A_110 = arith.mulf %sub3A_108, %mul3A_109 : vector<1x512xf32>
    %add3A_111 = arith.addf %dot_general3A_106, %mul3A_110 : vector<1x512xf32>
    %swap3A = arith.constant 0 : index
    %swap3A_112 = arith.constant 0 : index
    %swap3A_113 = arith.constant 0 : index
    %swap3A_114 = vector.load %arg13[%swap3A, %swap3A_112, %swap3A_113] : memref<1x1x512xf32, #tpu.memory_space<vmem>>, vector<1x1x512xf32>
    %swap3A_115 = vector.shape_cast %swap3A_114 : vector<1x1x512xf32> to vector<1x512xf32>
    %swap3A_116 = vector.shape_cast %add3A_111 : vector<1x512xf32> to vector<1x1x512xf32>
    tpu.vector_store %arg13[%swap3A, %swap3A_112, %swap3A_113], %swap3A_116 {strides = array<i32>} : memref<1x1x512xf32, #tpu.memory_space<vmem>>, vector<1x1x512xf32>,
    %reshape3A_117 = vector.shape_cast %get3A_18 : vector<1x512xf32> to vector<512x1xf32>
    %broadcast_in_dim3A = vector.shape_cast %reshape3A_117 : vector<512x1xf32> to vector<512x1xf32>
    %broadcast_in_dim3A_118 = vector.broadcast %broadcast_in_dim3A : vector<512x1xf32> to vector<512x768xf32>
    %swap3A_119 = arith.constant 0 : index
    %swap3A_120 = arith.constant 0 : index
    %swap3A_121 = arith.constant 0 : index
    %swap3A_122 = vector.load %arg14[%swap3A_119, %swap3A_120, %swap3A_121] : memref<1x512x768xf32, #tpu.memory_space<vmem>>, vector<1x512x768xf32>
    %swap3A_123 = vector.shape_cast %swap3A_122 : vector<1x512x768xf32> to vector<512x768xf32>
    %swap3A_124 = vector.shape_cast %broadcast_in_dim3A_118 : vector<512x768xf32> to vector<1x512x768xf32>
    tpu.vector_store %arg14[%swap3A_119, %swap3A_120, %swap3A_121], %swap3A_124 {strides = array<i32>} : memref<1x512x768xf32, #tpu.memory_space<vmem>>, vector<1x512x768xf32>,
    return
  }
  func.func @transform_0(%arg0: i32) -> (i32, i32, i32) {
    %c0_i32 = arith.constant 0 : i32
    %c0_i32_0 = arith.constant 0 : i32
    %c0_i32_1 = arith.constant 0 : i32
    return %arg0, %c0_i32, %c0_i32_0 : i32, i32, i32
  }
  func.func @transform_1(%arg0: i32) -> (i32, i32, i32) {
    %c0_i32 = arith.constant 0 : i32
    %c0_i32_0 = arith.constant 0 : i32
    %c0_i32_1 = arith.constant 0 : i32
    return %arg0, %c0_i32, %c0_i32_0 : i32, i32, i32
  }
  func.func @transform_2(%arg0: i32) -> (i32, i32, i32) {
    %c0_i32 = arith.constant 0 : i32
    %c0_i32_0 = arith.constant 0 : i32
    %c0_i32_1 = arith.constant 0 : i32
    return %arg0, %c0_i32, %c0_i32_0 : i32, i32, i32
  }
  func.func @transform_3(%arg0: i32) -> (i32, i32, i32) {
    %c0_i32 = arith.constant 0 : i32
    %c0_i32_0 = arith.constant 0 : i32
    %c0_i32_1 = arith.constant 0 : i32
    return %arg0, %c0_i32, %c0_i32_0 : i32, i32, i32
  }
  func.func @transform_4(%arg0: i32) -> (i32, i32, i32) {
    %c0_i32 = arith.constant 0 : i32
    %c0_i32_0 = arith.constant 0 : i32
    %c0_i32_1 = arith.constant 0 : i32
    return %arg0, %c0_i32, %c0_i32_0 : i32, i32, i32
  }
  func.func @transform_5(%arg0: i32) -> (i32, i32) {
    %c0_i32 = arith.constant 0 : i32
    %c0_i32_0 = arith.constant 0 : i32
    %c0_i32_1 = arith.constant 0 : i32
    return %c0_i32, %c0_i32_0 : i32, i32
  }
  func.func @transform_6(%arg0: i32) -> (i32, i32) {
    %c0_i32 = arith.constant 0 : i32
    %c0_i32_0 = arith.constant 0 : i32
    %c0_i32_1 = arith.constant 0 : i32
    return %c0_i32, %c0_i32_0 : i32, i32
  }
  func.func @transform_7(%arg0: i32) -> (i32, i32) {
    %c0_i32 = arith.constant 0 : i32
    %c0_i32_0 = arith.constant 0 : i32
    %c0_i32_1 = arith.constant 0 : i32
    return %c0_i32, %c0_i32_0 : i32, i32
  }
  func.func @transform_8(%arg0: i32) -> (i32, i32) {
    %c0_i32 = arith.constant 0 : i32
    %c0_i32_0 = arith.constant 0 : i32
    %c0_i32_1 = arith.constant 0 : i32
    return %c0_i32, %c0_i32_0 : i32, i32
  }
  func.func @transform_9(%arg0: i32) -> (i32, i32) {
    %c0_i32 = arith.constant 0 : i32
    %c0_i32_0 = arith.constant 0 : i32
    %c0_i32_1 = arith.constant 0 : i32
    return %c0_i32, %c0_i32_0 : i32, i32
  }
  func.func @transform_10(%arg0: i32) -> (i32, i32) {
    %c0_i32 = arith.constant 0 : i32
    %c0_i32_0 = arith.constant 0 : i32
    %c0_i32_1 = arith.constant 0 : i32
    return %c0_i32, %c0_i32_0 : i32, i32
  }
  func.func @transform_11(%arg0: i32) -> (i32, i32) {
    %c0_i32 = arith.constant 0 : i32
    %c0_i32_0 = arith.constant 0 : i32
    %c0_i32_1 = arith.constant 0 : i32
    return %c0_i32, %c0_i32_0 : i32, i32
  }
  func.func @transform_12(%arg0: i32) -> (i32, i32, i32) {
    %c0_i32 = arith.constant 0 : i32
    %c0_i32_0 = arith.constant 0 : i32
    %c0_i32_1 = arith.constant 0 : i32
    return %arg0, %c0_i32, %c0_i32_0 : i32, i32, i32
  }
  func.func @transform_13(%arg0: i32) -> (i32, i32, i32) {
    %c0_i32 = arith.constant 0 : i32
    %c0_i32_0 = arith.constant 0 : i32
    %c0_i32_1 = arith.constant 0 : i32
    return %arg0, %c0_i32, %c0_i32_0 : i32, i32, i32
  }
}

</mosaic_0001>

<sc_bundles>
// kernel: kernel.5.cloned.1.call-start
scs
__scs_entry_jumppad:
0x0: {  	(pc) =	sbr.rel $0x88, $3  }
0x1: {  	(tag) =	ssettag $0x0;
	lr =	simm.s32 $0x1  }
0x2: {  	[smem:$0x3F98] =	sst lr;
	_ =	strace $0xD0000000  }
0x3: {  	_ = 	snop  }
0x4: {  	_ = 	snop  }
0x5: {  	_ = 	snop  }
0x6: {  	_ = 	snop  }
0x7: {  	_ = 	snop  }
__scs_overlays_trampoline_lowered:
0x8: {  	[smem:$0x3FA7] =	sst s0  }
0x9: {  	[smem:$0x3FA8] =	sst s1  }
0xa: {  	[smem:$0x3FA9] =	sst s2  }
0xb: {  	[smem:$0x3FAA] =	sst s3  }
0xc: {  	[smem:$0x3FAB] =	sst s4  }
0xd: {  	[smem:$0x3FAC] =	sst s5  }
0xe: {  	[smem:$0x3FAD] =	sst s6  }
0xf: {  	[smem:$0x3FAE] =	sst s7  }
0x10: {  	[smem:$0x3FAF] =	sst s8  }
0x11: {  	[smem:$0x3FB0] =	sst s9;
	s0 =	simm.s32 @!p0 $0x0  }
0x12: {  	s1 =	sld [smem:$0x3F96];
	s0 =	simm.s32 @p0 $0x1  }
0x13: {  	[smem:$0x3FB1] =	sst s0;
	s0 =	simm.s32 @!p1 $0x0  }
0x14: {  	s2 =	sld [smem:$0x3F95];
	s0 =	simm.s32 @p1 $0x1  }
0x15: {  	[smem:$0x3FB2] =	sst s0;
	s0 =	simm.s32 @!p2 $0x0  }
0x16: {  	s3 =	sld [smem:$0x3FDB];
	s0 =	simm.s32 @p2 $0x1  }
0x17: {  	s4 =	simm.s32 $0x1BF5;
	[smem:$0x3FB4] =	sst s0  }
0x18: {  	s0 =	sld [smem:$0x3F97];
	_ =	swait.ge [sflag:s4], $0x0  }
0x19: {  	s7 =	sld [smem:$0x3F98]  }
0x1a: {  	s8 =	sadd.s32 $0xFFFFE003, lr  }
0x1b: {  	s9 =	sadd.s32 $0xFFFFFEF7, lr;
	s5 =	simm.s32 $0xFFFFFFFF;
	p2 =	slt.u32 s8, $0xFFFFF086  }
0x1c: {  	p1 =	slt.u32 s9, $0xF7A;
	s5 =	simm.s32 @!p2 $0x0  }
0x1d: {  	s5 =	simm.s32 @p1 $0x1;
	p0 =	seq.s32 s7, s2  }
0x1e: {  	s7 =	smul.u32 @!p0 $0xF7A, s2;
	p2 =	seq.s32 @!p0 s5, $0x0  }
0x1f: {  	s9 =	smul.u32 $0xF7A, s1;
	s8 =	simm.s32 @!p0 $0x1BF5;
	p2 =	por !p2, p0  }
0x20: {  	[sflag:s8] =	ssyncset.s32 @!p0 $0xFFFFF086;
	s6 =	sadd.s32 @!p0 s3, s7;
	s7 =	simm.s32 @!p0 $0x108  }
0x21: {  	s3 =	sadd.s32 s3, s9;
	s6 =	sadd.s32 @!p0 $0x88, s6;
	s7 =	simm.s32 @p2 $0x1082  }
0x22: {  	[simem:s7], [sflag:s8] =	dma.local @!p0 [hbm:s6], $0xF7A  }
0x23: {  	s9 =	sor.u32 $0xD0000000, s2;
	s6 =	simm.s32 $0x108;
	_ =	swait.ge @!p0 [sflag:s8], $0x0  }
0x24: {  	s3 =	sadd.s32 $0x88, s3;
	s6 =	simm.s32 @!p1 $0x1082;
	[sflag:s4] =	ssyncset.s32 $0xFFFFF086  }
0x25: {  	[simem:s6], [sflag:s4] =	dma.local [hbm:s3], $0xF7A  }
0x26: {  	[smem:$0x3F98] =	sst s1;
	(tag) =	ssettag s2;
	_ =	strace s9  }
0x27: {  	s1 =	sld [smem:$0x3FA8]  }
0x28: {  	s2 =	sld [smem:$0x3FA9]  }
0x29: {  	s4 =	sld [smem:$0x3FAB]  }
0x2a: {  	p0 =	seq.s32 s5, $0x0;
	s5 =	sld [smem:$0x3FAC]  }
0x2b: {  	s6 =	sld [smem:$0x3FAD]  }
0x2c: {  	s7 =	sld [smem:$0x3FAE]  }
0x2d: {  	s3 =	simm.s32 $0x108;
	s8 =	sld [smem:$0x3FAF]  }
0x2e: {  	s3 =	simm.s32 @!p0 $0x1082;
	s9 =	sld [smem:$0x3FB0]  }
0x2f: {  	lr =	sadd.s32 s0, s3;
	s0 =	sld [smem:$0x3FA7]  }
0x30: {  	s3 =	sld [smem:$0x3FAA]  }
0x31: {  	[smem:$0x3FB3] =	sst s10  }
0x32: {  	s10 =	sld [smem:$0x3FB1];
	_ =	sdelay $0x3  }
0x33: {  	p0 =	seq.s32 s10, $0x1;
	s10 =	sld [smem:$0x3FB3];
	_ =	sdelay $0x3  }
0x34: {  	[smem:$0x3FB3] =	sst s10  }
0x35: {  	s10 =	sld [smem:$0x3FB2];
	_ =	sdelay $0x3  }
0x36: {  	p1 =	seq.s32 s10, $0x1;
	s10 =	sld [smem:$0x3FB3];
	_ =	sdelay $0x3  }
0x37: {  	[smem:$0x3FB3] =	sst s10  }
0x38: {  	s10 =	sld [smem:$0x3FB4]  }
0x39: {  	_ = 	snop;
	(pc) =	sbr.ind lr, $3  }
0x3a: {  	_ = 	snop  }
0x3b: {  	_ = 	snop  }
0x3c: {  	p2 =	seq.s32 s10, $0x1;
	s10 =	sld [smem:$0x3FB3]  }
0x3d: {  	_ =	shalt  }
0x3e: {  	_ =	shalt  }
0x3f: {  	_ =	shalt  }
0x40: {  	_ =	shalt  }
0x41: {  	_ =	shalt  }
0x42: {  	_ =	shalt  }
0x43: {  	_ =	shalt  }
0x44: {  	_ =	shalt  }
0x45: {  	_ =	shalt  }
0x46: {  	_ =	shalt  }
0x47: {  	_ =	shalt  }
0x48: {  	_ =	shalt  }
0x49: {  	_ =	shalt  }
0x4a: {  	_ =	shalt  }
0x4b: {  	_ =	shalt  }
0x4c: {  	_ =	shalt  }
0x4d: {  	_ =	shalt  }
0x4e: {  	_ =	shalt  }
0x4f: {  	_ =	shalt  }
0x50: {  	_ =	shalt  }
0x51: {  	_ =	shalt  }
0x52: {  	_ =	shalt  }
0x53: {  	_ =	shalt  }
0x54: {  	_ =	shalt  }
0x55: {  	_ =	shalt  }
0x56: {  	_ =	shalt  }
0x57: {  	_ =	shalt  }
0x58: {  	_ =	shalt  }
0x59: {  	_ =	shalt  }
0x5a: {  	_ =	shalt  }
0x5b: {  	_ =	shalt  }
0x5c: {  	_ =	shalt  }
0x5d: {  	_ =	shalt  }
0x5e: {  	_ =	shalt  }
0x5f: {  	_ =	shalt  }
0x60: {  	_ =	shalt  }
0x61: {  	_ =	shalt  }
0x62: {  	_ =	shalt  }
0x63: {  	_ =	shalt  }
0x64: {  	_ =	shalt  }
0x65: {  	_ =	shalt  }
0x66: {  	_ =	shalt  }
0x67: {  	_ =	shalt  }
0x68: {  	_ =	shalt  }
0x69: {  	_ =	shalt  }
0x6a: {  	_ =	shalt  }
0x6b: {  	_ =	shalt  }
0x6c: {  	_ =	shalt  }
0x6d: {  	_ =	shalt  }
0x6e: {  	_ =	shalt  }
0x6f: {  	_ =	shalt  }
0x70: {  	_ =	shalt  }
0x71: {  	_ =	shalt  }
0x72: {  	_ =	shalt  }
0x73: {  	_ =	shalt  }
0x74: {  	_ =	shalt  }
0x75: {  	_ =	shalt  }
0x76: {  	_ =	shalt  }
0x77: {  	_ =	shalt  }
0x78: {  	_ =	shalt  }
0x79: {  	_ =	shalt  }
0x7a: {  	_ =	shalt  }
0x7b: {  	_ =	shalt  }
0x7c: {  	_ =	shalt  }
0x7d: {  	_ =	shalt  }
0x7e: {  	_ =	shalt  }
0x7f: {  	_ =	shalt  }
0x80: {  	_ =	shalt  }
0x81: {  	_ =	shalt  }
0x82: {  	_ =	shalt  }
0x83: {  	_ =	shalt  }
0x84: {  	_ =	shalt  }
0x85: {  	_ =	shalt  }
0x86: {  	_ =	shalt  }
0x87: {  	_ =	shalt  }
.Lfunc_end0:
.L_simem_size_0:
called_computation_lowered:
.L_overlay_start_0:
0x88: {  	s2 =	sld [smem:$0x3FD9]  }
0x89: {  	s3 =	sld [smem:$0x3FFE];
	_ =	sdelay $0x1  }
0x8a: {  	s1 =	srdreg.scid  }
0x8b: {  	s0 =	sand.u32 $0x1, s1  }
0x8c: {  	s15 =	sshll.u32 s0, $0xA;
	s2 =	sadd.s32 s3, s2  }
0x8d: {  	s2 =	sadd.s32 s2, s15  }
0x8e: {  	[smem:$0x3FBF] =	sst s2  }
0x8f: {  	_ = 	snop  }
0x90: {  	s2 =	sld [smem:$0x3FD0];
	_ =	sdelay $0x2  }
0x91: {  	s4 =	simm.s32 $0xA;
	s5 =	simm.s32 $0x10;
	s16 =	sld [smem:$0x3FC8]  }
0x92: {  	[smem:s5], [sflag:s4] =	dma.local [hbm:s2], $0x1  }
0x93: {  	_ =	swait.eq [sflag:s4], $0x1  }
0x94: {  	[sflag:s4] =	ssyncset.done $0x0  }
0x95: {  	s17 =	sld [smem:$0x10];
	[sflag:s4] =	ssyncadd.s32 $0xFFFFFFFF  }
0x96: {  	s18 =	sld [smem:$0x13];
	(tm) =	ssettm $0x1  }
0x97: {  	s19 =	sld [smem:$0x3FFB];
	_ =	sdelay $0x3  }
0x98: {  	_ =	strace s19  }
0x99: {  	s5 =	sld [smem:$0x3FFC];
	_ =	sdelay $0x3  }
0x9a: {  	_ =	strace s5  }
0x9b: {  	s5 =	sld [smem:$0x3FFD];
	_ =	sdelay $0x3  }
0x9c: {  	_ =	strace s5  }
0x9d: {  	_ =	strace $0x8FFFFFFF  }
0x9e: {  	s20 =	sld [smem:$0x3FDB];
	_ =	sdelay $0x1  }
0x9f: {  	s6 =	simm.s32 $_scs_section_size  }
0xa0: {  	s7 =	simm.s32 $_size__tile_overlayer_lowered;
	s8 =	simm.s32 $_tile_overlayer_lowered  }
0xa1: {  	s23 =	simm.s32 $0x1BFF;
	s22 =	sshll.u32 s8, $0x1;
	s5 =	sadd.s32 s6, s20  }
0xa2: {  	s9 =	simm.s32 $0x0;
	s21 =	sshll.u32 s7, $0x1;
	s7 =	sadd.s32 s22, s5  }
0xa3: {  	[timem:s9], [sflag:s23] =	dma.local [hbm:s7], s21  }
0xa4: {  	_ =	swait.ge [sflag:s23], s21  }
0xa5: {  	s6 =	ssub.s32 $0x0, s21;
	[sflag:s23] =	ssyncset.done $0x0  }
0xa6: {  	[sflag:s23] =	ssyncadd.s32 s6;
	_ =	sdelay $0x1  }
0xa7: {  	s24 =	simm.s32 $0x1B8B  }
0xa8: {  	_ =	swait.ge [sflag:s24], $0x1  }
0xa9: {  	[sflag:s24] =	ssyncset.done $0x0  }
0xaa: {  	s25 =	simm.s32 $0x1B8E;
	[sflag:s24] =	ssyncadd.s32 $0xFFFFFFFF  }
0xab: {  	s26 =	simm.s32 $execute0_lowered;
	[smem:$0x3FD2] =	sst s25  }
0xac: {  	s6 =	sshll.u32 s26, $0x1;
	_ =	strace $0x80000046;
	[dreg:$0x1] =	wrdreg $0xFFFFFFFF  }
0xad: {  	s28 =	simm.s32 $_size_execute0_lowered;
	s5 =	sadd.s32 s5, s6;
	[dreg:$0x0] =	wrdreg $0x0  }
0xae: {  	s6 =	sshll.u32 s28, $0x1;
	[dreg:$0x2] =	wrdreg s5  }
0xaf: {  	[dreg:$0x3] =	wrdreg s6  }
0xb0: {  	[dreg:$0x4] =	wrdreg $0xC0  }
0xb1: {  	_ =	task [dreg:s9], $0x5FFFF  }
0xb2: {  	[dreg:$0x1] =	wrdreg $0xFFFFFFFF  }
0xb3: {  	[dreg:$0x0] =	wrdreg $0x60  }
0xb4: {  	[dreg:$0x2] =	wrdreg s16  }
0xb5: {  	[dreg:$0x3] =	wrdreg s17  }
0xb6: {  	[dreg:$0x4] =	wrdreg s18  }
0xb7: {  	[dreg:$0x5] =	wrdreg $0x9  }
0xb8: {  	_ =	task.clear_ibuf [dreg:s9], $0x6FFFF;
	_ =	strace $0x90000046  }
0xb9: {  	s29 =	simm.s32 $0x9;
	_ =	strace $0x80000048  }
0xba: {  	_ =	swait.ge [sflag:s29], $0x1  }
0xbb: {  	[sflag:s29] =	ssyncadd.s32 $0xFFFFFFFF  }
0xbc: {  	_ =	strace $0x90000048  }
0xbd: {  	_ =	sfence  }
0xbe: {  	s30 =	sld [smem:$0x0];
	_ =	sdelay $0x2  }
0xbf: {  	s31 =	sshll.u32 s1, $0xD;
	s1 =	sshrl.u32 s1, $0x2  }
0xc0: {  	s3 =	sand.u32 $0x4000, s31;
	s1 =	sadd.s32 s1, s30  }
0xc1: {  	s0 =	sor.u32 s3, s0;
	s1 =	sshll.u32 s1, $0x11  }
0xc2: {  	s0 =	sor.u32 s1, s0  }
0xc3: {  	s0 =	sadd.s32 $0x8F2B, s0  }
0xc4: {  	[sflag:s0] =	ssyncadd.remote.s32 $0x1  }
0xc5: {  	_ =	sfence.sel $0xFFFF  }
0xc6: {  	[dreg:$0x0] =	wrdreg $0xFFFFFFFF;
	(pc) =	sbr.abs _section_cstart, $3  }
0xc7: {  	[dreg:$0x1] =	wrdreg $0xFFFFFFFF  }
0xc8: {  	_ =	task.clear_ibuf [dreg:s9], $0x2FFFF;
	_ =	strace $0x9FFFFFFF  }
0xc9: {  	(tm) =	ssettm $0x7FFFFFFF  }
tec
execute0_lowered:
.L_overlay_start_1:
0x0: {  	(tag) =	ssettag $0x1  }
0x1: {  	s1 =	rddreg [dreg:$0x0]  }
0x2: {  	s4 =	rddreg [dreg:$0x1];
	s2 =	srdreg.scid  }
0x3: {  	s0 =	stileid.u32;
	s6 =	rddreg [dreg:$0x2]  }
0x4: {  	s10 =	simm.s32 $0x880;
	s11 =	simm.s32 $0x1080;
	s12 =	simm.s32 $0x1880  }
0x5: {  	s13 =	simm.s32 $0x2080;
	s14 =	simm.s32 $0x2880;
	s15 =	simm.s32 $0x3080  }
0x6: {  	s16 =	simm.s32 $0x3880;
	s17 =	simm.s32 $0x4080;
	s18 =	simm.s32 $0x4880  }
0x7: {  	s19 =	simm.s32 $0x5080;
	s5 =	sand.u32 $0x1, s2;
	s3 =	sshll.u32 s0, $0x1  }
0x8: {  	s20 =	simm.s32 $0x5880;
	s21 =	simm.s32 $0x1;
	s7 =	sor.u32 s5, s3  }
0x9: {  	s3 =	simm.s32 $0x0;
	s5 =	ssub.s32 $0x2, s5;
	s8 =	smul.u32 $0x6, s7  }
0xa: {  	[smem:$0x7FF] =	sst s3;
	s9 =	sshrl.u32 s5, $0x1;
	s7 =	smul.u32 $0xC00, s7  }
0xb: {  	v2 =	vlaneseq.u32;
	s2 =	rddreg [dreg:$0x3];
	_ =	strace $0x80000047;
	s9 =	ssub.s32 s5, s9  }
0xc: {  	vm0 =	vmmov $0xffff;
	v1 =	vshrl.u32 v2, $0x3;
	s5 =	sadd.s32 $0x100, s1;
	s4 =	sadd.s32 s4, s8;
	s6 =	sadd.s32 s6, s7  }
0xd: {  	v0 =	vand.u32 $0x7, v2;
	v2 =	vor.u32 $0x8, v2;
	v1 =	vmul.u32 $0x8, v1;
	s7 =	smax.u32 s9, $0x1;
	s8 =	simm.s32 $0x2;
	s9 =	simm.s32 $0x80  }
.LBB2_1:
0xe: {  	[tilespmem:s3], [sflag:$0x2] =	stream.linear.gather [hbm4b:s4+s3], $0x30, $0x38;
	[tilespmem:$0x6080] =	vst v63  }
0xf: {  	_ =	swait.ge [sflag:s8], $0x30  }
0x10: {  	[sflag:s8] =	ssyncset.done $0x0  }
0x11: {  	[sflag:s8] =	ssyncadd.s32 $0xFFFFFFD0  }
0x12: {  	v3 =	vld [tilespmem:$0x0];
	_ =	sdelay $0x4  }
0x13: {  	v4 =	vshll.u32 v3, $0x2  }
0x14: {  	v3 =	vand.u32 $0x7, v3;
	v4 =	vand.u32 $0xFFFFFFE0, v4  }
0x15: {  	v3 =	vor.u32 v3, v4  }
0x16: {  	v4 =	vperm.xlane v3, v0;
	_ =	sdelay $0x1  }
0x17: {  	v4 =	vadd.s32 v1, v4;
	_ =	sdelay $0x1  }
0x18: {  	v3 =	vperm.xlane v3, v2;
	_ =	sdelay $0x1  }
0x19: {  	v3 =	vadd.s32 v1, v3  }
0x1a: {  	[tilespmem:s9], [sflag:$0x1] =	stream.indirect_vreg.gather [hbm4b:s1+s3], $0x80, v4, vm0, $0xb8;
	[tilespmem:$0x6080] =	vst v63  }
0x1b: {  	_ = 	snop  }
0x1c: {  	[tilespmem:s10], [sflag:$0x1] =	stream.indirect_vreg.gather [hbm4b:s5+s3], $0x80, v4, vm0, $0xb8;
	[tilespmem:$0x6080] =	vst v63  }
0x1d: {  	_ = 	snop  }
0x1e: {  	[tilespmem:s11], [sflag:$0x1] =	stream.indirect_vreg.gather [hbm4b:s1+s3], $0x80, v3, vm0, $0xb8;
	[tilespmem:$0x6080] =	vst v63  }
0x1f: {  	_ = 	snop  }
0x20: {  	[tilespmem:s12], [sflag:$0x1] =	stream.indirect_vreg.gather [hbm4b:s5+s3], $0x80, v3, vm0, $0xb8;
	[tilespmem:$0x6080] =	vst v63  }
0x21: {  	v3 =	vld [tilespmem:$0x10];
	_ =	sdelay $0x4  }
0x22: {  	v62 =	vshll.u32 v3, $0x2  }
0x23: {  	v3 =	vand.u32 $0x7, v3;
	v4 =	vand.u32 $0xFFFFFFE0, v62  }
0x24: {  	v3 =	vor.u32 v3, v4  }
0x25: {  	v4 =	vperm.xlane v3, v0;
	_ =	sdelay $0x1  }
0x26: {  	v4 =	vadd.s32 v1, v4;
	_ =	sdelay $0x1  }
0x27: {  	v3 =	vperm.xlane v3, v2;
	_ =	sdelay $0x1  }
0x28: {  	v3 =	vadd.s32 v1, v3  }
0x29: {  	[tilespmem:s13], [sflag:$0x1] =	stream.indirect_vreg.gather [hbm4b:s1+s3], $0x80, v4, vm0, $0xb8;
	[tilespmem:$0x6080] =	vst v63  }
0x2a: {  	_ = 	snop  }
0x2b: {  	[tilespmem:s14], [sflag:$0x1] =	stream.indirect_vreg.gather [hbm4b:s5+s3], $0x80, v4, vm0, $0xb8;
	[tilespmem:$0x6080] =	vst v63  }
0x2c: {  	_ = 	snop  }
0x2d: {  	[tilespmem:s15], [sflag:$0x1] =	stream.indirect_vreg.gather [hbm4b:s1+s3], $0x80, v3, vm0, $0xb8;
	[tilespmem:$0x6080] =	vst v63  }
0x2e: {  	_ = 	snop  }
0x2f: {  	[tilespmem:s16], [sflag:$0x1] =	stream.indirect_vreg.gather [hbm4b:s5+s3], $0x80, v3, vm0, $0xb8;
	[tilespmem:$0x6080] =	vst v63  }
0x30: {  	v3 =	vld [tilespmem:$0x20];
	_ =	sdelay $0x4  }
0x31: {  	v63 =	vshll.u32 v3, $0x2  }
0x32: {  	v3 =	vand.u32 $0x7, v3;
	v4 =	vand.u32 $0xFFFFFFE0, v63  }
0x33: {  	v3 =	vor.u32 v3, v4  }
0x34: {  	v4 =	vperm.xlane v3, v0;
	_ =	sdelay $0x1  }
0x35: {  	v4 =	vadd.s32 v1, v4;
	_ =	sdelay $0x1  }
0x36: {  	v3 =	vperm.xlane v3, v2;
	_ =	sdelay $0x1  }
0x37: {  	v3 =	vadd.s32 v1, v3  }
0x38: {  	[tilespmem:s17], [sflag:$0x1] =	stream.indirect_vreg.gather [hbm4b:s1+s3], $0x80, v4, vm0, $0xb8;
	[tilespmem:$0x6080] =	vst v63  }
0x39: {  	_ = 	snop  }
0x3a: {  	[tilespmem:s18], [sflag:$0x1] =	stream.indirect_vreg.gather [hbm4b:s5+s3], $0x80, v4, vm0, $0xb8;
	[tilespmem:$0x6080] =	vst v63  }
0x3b: {  	_ = 	snop  }
0x3c: {  	[tilespmem:s19], [sflag:$0x1] =	stream.indirect_vreg.gather [hbm4b:s1+s3], $0x80, v3, vm0, $0xb8;
	[tilespmem:$0x6080] =	vst v63  }
0x3d: {  	_ = 	snop  }
0x3e: {  	[tilespmem:s20], [sflag:$0x1] =	stream.indirect_vreg.gather [hbm4b:s5+s3], $0x80, v3, vm0, $0xb8;
	[tilespmem:$0x6080] =	vst v63  }
0x3f: {  	_ =	swait.ge [sflag:s21], $0x6000  }
0x40: {  	p0 =	sne.s32 s7, $0x1;
	[sflag:s21] =	ssyncset.done $0x0  }
.Ltmp0:
0x41: {  	[sflag:s21] =	ssyncadd.s32 $0xFFFFA000;
	(pc) =	sbr.rel @p0 .LBB2_1-.Ltmp0, $4  }
0x42: {  	[hbm4b:s6+s3] =	stream.linear.scatter [tilespmem:s9], [sflag:$0x2], $0x6000, $0x38;
	[tilespmem:$0x6080] =	vst v63  }
0x43: {  	_ =	swait.ge [sflag:s8], $0x6000  }
0x44: {  	[sflag:s8] =	ssyncset.done $0x0  }
0x45: {  	s7 =	sadd.s32 $0xFFFFFFFF, s7;
	[sflag:s8] =	ssyncadd.s32 $0xFFFFA000  }
0x46: {  	_ =	sfence.sel $0x180000  }
0x47: {  	[bflag:$0x0] =	sbarrier.arrive $0xFFFF  }
0x48: {  	p0 =	sne.s32 s0, $0x0;
	_ =	strace $0x90000047  }
0x49: {  	s0 =	sadd.s32 @!p0 $0x100000, s2;
	[bflag:$0x2] =	sbarrier.arrive $0xFFFF  }
0x4a: {  	[sflag:s0] =	ssyncadd.tile.s32 @!p0 $0x1;
	_ =	shalt  }
.Lfunc_end2:
_tile_overlayer_lowered:
.L_overlay_start_2:
0x4b: {  	(tag) =	ssettag $0x2  }
0x4c: {  	s0 =	rddreg [dreg:$0x0];
	s2 =	stileid.u32  }
0x4d: {  	s1 =	rddreg [dreg:$0x1];
	p0 =	sne.s32 s2, $0x0  }
0x4e: {  	s3 =	rddreg [dreg:$0x2];
	[bflag:$0x3] =	sbarrier.arrive $0xFFFF;
	s2 =	simm.s32 @!p0 $0x1C02  }
0x4f: {  	[timem:s3], [sflag:s2] =	dma.local @!p0 [hbm:s0], s1  }
0x50: {  	s0 =	simm.s32 @!p0 $0x2  }
0x51: {  	_ =	swait.ge @!p0 [sflag:s0], s1  }
0x52: {  	s1 =	ssub.s32 @!p0 $0x0, s1;
	[sflag:s0] =	ssyncset.done @!p0 $0x0  }
0x53: {  	[sflag:s0] =	ssyncadd.s32 @!p0 s1  }
0x54: {  	[bflag:$0x3] =	sbarrier.arrive $0xFFFF  }
0x55: {  	_ =	shalt  }

</sc_bundles>
